<compile_context>
chip_gen: v7x
topology: tpu7x:2x2x1
jax: 0.10.2.dev20260603
libtpu: 0.0.44.dev20260713+nightly
codegen_flags: <defaults>
</compile_context>

<pallas_src>
import functools

import jax
import jax.numpy as jnp
from jax.experimental import pallas as pl
from jax.experimental.pallas import tpu as pltpu

B, L, DP, DA, N = 4, 512, 128, 128, 1024
K = 32
NB = N // K + B
NEG = -1e30


def _kernel_body(nblk, sched_b, sched_s, sched_lo, sched_hi,
                 atom, prot2d, splits_f, W1, b1, w2row, b2,
                 Wd1, bd1, Wd2, bd2, Wo, bo,
                 out_ref, P1_ref, A1_ref, m_ref, Yp_ref):
    f32 = jnp.float32
    rt = lambda a: a.astype(jnp.bfloat16).astype(f32)
    hi = jax.lax.Precision.HIGHEST
    W1p = rt(W1[:DP, :])
    W1a = rt(W1[DP:, :])
    P1_ref[:, :] = jnp.dot(rt(prot2d[:, :]), W1p, precision=hi,
                           preferred_element_type=f32)
    A1_ref[:, :] = jnp.dot(rt(atom[:, :]), W1a, precision=hi,
                           preferred_element_type=f32) + b1[0:1, :]
    Yp_ref[:, :] = jnp.full((B, L), NEG, f32)

    w2 = rt(w2row[0:1, :])
    b2s = b2[0, 0]
    k_iota = jax.lax.broadcasted_iota(jnp.int32, (K, 1), 0)

    def body(i, _):
        b = sched_b[i]
        s = sched_s[i]
        lo = sched_lo[i]
        hi = sched_hi[i]
        idx = s + k_iota
        valid = (idx >= lo) & (idx < hi)
        P1b = P1_ref[pl.ds(b * L, L), :]
        A1k = A1_ref[pl.ds(s, K), :]
        T = jnp.tanh(P1b[None, :, :] + A1k[:, None, :])
        y = jnp.sum(rt(T) * w2[None, :, :], axis=-1) + b2s
        m_k = jnp.max(y, axis=1, keepdims=True)
        old_m = m_ref[pl.ds(s, K), :]
        m_ref[pl.ds(s, K), :] = jnp.where(valid, m_k, old_m)
        y_mask = jnp.where(valid, y, NEG)
        seg_y = jnp.max(y_mask, axis=0, keepdims=True)
        old_y = Yp_ref[pl.ds(b, 1), :]
        Yp_ref[pl.ds(b, 1), :] = jnp.maximum(old_y, seg_y)
        return 0

    jax.lax.fori_loop(0, nblk[0], body, 0)

    m = m_ref[:, :]
    Wc = jnp.exp(5.0 * jnp.tanh(m))
    lane = jax.lax.broadcasted_iota(jnp.int32, (N, 128), 1)
    oh = (lane == splits_f[:, :].astype(jnp.int32)).astype(f32)
    dn = (((0,), (0,)), ((), ()))
    seg_sum = jax.lax.dot_general(oh, Wc, dn, precision=hi,
                                  preferred_element_type=f32)
    Sc = jnp.dot(oh, seg_sum, precision=hi,
                 preferred_element_type=f32)
    aa = Wc / Sc
    atom_agg = jax.lax.dot_general(oh, aa * atom[:, :], dn, precision=hi,
                                   preferred_element_type=f32)
    Wp = 5.0 * jnp.tanh(Yp_ref[:, :])
    Wp = Wp - jnp.max(Wp, axis=1, keepdims=True)
    e = jnp.exp(Wp)
    ap = e / jnp.sum(e, axis=1, keepdims=True)
    pe = []
    for bb in range(B):
        pe.append(jnp.dot(rt(ap[bb:bb + 1, :]),
                          rt(prot2d[bb * L:(bb + 1) * L, :]), precision=hi,
                          preferred_element_type=f32))
    prot_embed = jnp.concatenate(pe, axis=0)
    x = jnp.concatenate([atom_agg[:B, :], prot_embed], axis=1)
    x = jnp.maximum(jnp.dot(rt(x), rt(Wd1[:, :]), precision=hi,
                            preferred_element_type=f32)
                    + bd1[0:1, :], 0.0)
    x = jnp.maximum(jnp.dot(rt(x), rt(Wd2[:, :]), precision=hi,
                            preferred_element_type=f32)
                    + bd2[0:1, :], 0.0)
    res = jnp.dot(rt(x), rt(Wo[:, :]), precision=hi,
                  preferred_element_type=f32) + bo[0, 0]
    out_ref[0:B, 0:1] = res


def _build_schedule(atom_splits):
    i32 = jnp.int32
    counts = jnp.bincount(atom_splits, length=B).astype(i32)
    ends = jnp.cumsum(counts)
    starts = ends - counts
    blocks_per = (counts + K - 1) // K
    cumb = jnp.cumsum(blocks_per)
    i = jnp.arange(NB, dtype=i32)
    b_of = jnp.searchsorted(cumb, i, side="right").astype(i32)
    real = b_of < B
    b_idx = jnp.minimum(b_of, B - 1)
    prev = jnp.where(b_idx > 0, cumb[jnp.maximum(b_idx - 1, 0)], 0)
    j = i - prev
    s = jnp.minimum(starts[b_idx] + j * K, N - K)
    sched_b = jnp.where(real, b_idx, 0).astype(i32)
    sched_s = jnp.where(real, s, 0).astype(i32)
    sched_lo = jnp.where(real, starts[b_idx], 0).astype(i32)
    sched_hi = jnp.where(real, ends[b_idx], 0).astype(i32)
    nblk = cumb[B - 1:B].astype(i32)
    return nblk, sched_b, sched_s, sched_lo, sched_hi


@jax.jit
def kernel(atom_embed, protSeq_embed, atom_splits, W1, b1, W2, b2,
           Wd1, bd1, Wd2, bd2, Wo, bo):
    f32 = jnp.float32
    nblk, sched_b, sched_s, sched_lo, sched_hi = _build_schedule(atom_splits)
    prot2d = protSeq_embed.reshape(B * L, DP)
    splits_f = atom_splits.reshape(N, 1)
    smem = pl.BlockSpec(memory_space=pltpu.SMEM)
    vmem = pl.BlockSpec(memory_space=pltpu.VMEM)
    out = pl.pallas_call(
        _kernel_body,
        out_shape=jax.ShapeDtypeStruct((8, 128), f32),
        in_specs=[smem, smem, smem, smem, smem] + [vmem] * 13,
        out_specs=vmem,
        scratch_shapes=[
            pltpu.VMEM((B * L, 128), f32),
            pltpu.VMEM((N, 128), f32),
            pltpu.VMEM((N, 1), f32),
            pltpu.VMEM((B, L), f32),
        ],
    )(nblk, sched_b, sched_s, sched_lo, sched_hi,
      atom_embed, prot2d, splits_f,
      W1, b1.reshape(1, 128), W2.reshape(1, 128),
      b2.reshape(1, 1),
      Wd1, bd1.reshape(1, Wd1.shape[1]), Wd2,
      bd2.reshape(1, Wd2.shape[1]), Wo, bo.reshape(1, 1))
    return out[:B, :1]

# --- scband reference (transcript-rebuilt; emitter-appended) ---
"""Pipeline reference for scband-concat-bi-interaction-22874995819093 (READ-ONLY COPY).

The authoritative reference and input builder live on the scoring server;
editing this copy changes nothing except your own understanding.
"""

import jax, jax.numpy as jnp
import numpy as np

B, L, DP, DA, N = 4, 512, 128, 128, 1024
H1, H2 = 512, 256

def setup_inputs(seed: int = 0) -> dict:
    key = jax.random.key(seed)
    ks = jax.random.split(key, 16)
    atom_embed = jax.random.normal(ks[0], (N, DA), dtype=jnp.float32)
    protSeq_embed = jax.random.normal(ks[1], (B, L, DP), dtype=jnp.float32)
    # sorted segment ids covering all B segments
    rest = jax.random.randint(ks[2], (N - B,), 0, B)
    atom_splits = jnp.sort(jnp.concatenate([jnp.arange(B), rest])).astype(jnp.int32)
    cat_dim = DP + DA
    W1 = jax.random.normal(ks[3], (cat_dim, 128), dtype=jnp.float32) * (1.0 / np.sqrt(cat_dim))
    b1 = jnp.zeros((128,), dtype=jnp.float32)
    W2 = jax.random.normal(ks[4], (128, 1), dtype=jnp.float32) * (1.0 / np.sqrt(128))
    b2 = jnp.zeros((1,), dtype=jnp.float32)
    Wd1 = jax.random.normal(ks[5], (DA + DP, H1), dtype=jnp.float32) * (1.0 / np.sqrt(DA + DP))
    bd1 = jnp.zeros((H1,), dtype=jnp.float32)
    Wd2 = jax.random.normal(ks[6], (H1, H2), dtype=jnp.float32) * (1.0 / np.sqrt(H1))
    bd2 = jnp.zeros((H2,), dtype=jnp.float32)
    Wo = jax.random.normal(ks[7], (H2, 1), dtype=jnp.float32) * (1.0 / np.sqrt(H2))
    bo = jnp.zeros((1,), dtype=jnp.float32)
    return {"atom_embed": atom_embed, "protSeq_embed": protSeq_embed, "atom_splits": atom_splits,
            "W1": W1, "b1": b1, "W2": W2, "b2": b2, "Wd1": Wd1, "bd1": bd1,
            "Wd2": Wd2, "bd2": bd2, "Wo": Wo, "bo": bo}

def reference(atom_embed, protSeq_embed, atom_splits, W1, b1, W2, b2, Wd1, bd1, Wd2, bd2, Wo, bo):
    Lp = protSeq_embed.shape[1]
    Bn = protSeq_embed.shape[0]
    # gather protein sequence per atom
    prot_gather = jnp.take(protSeq_embed, atom_splits, axis=0)          # [N, L, DP]
    atom_expand = jnp.tile(atom_embed[:, None, :], (1, Lp, 1))          # [N, L, DA]
    concat_embed = jnp.concatenate([prot_gather, atom_expand], axis=-1)  # [N, L, DP+DA]
    concat_hidden = jnp.tanh(concat_embed @ W1 + b1)                     # [N, L, 128]
    Wmat = jnp.tanh(concat_hidden @ W2 + b2)                             # [N, L, 1]
    Wmat = jnp.squeeze(Wmat, axis=-1)                                    # [N, L]
    Wmat = 5.0 * Wmat
    Wc = jnp.exp(jnp.max(Wmat, axis=-1, keepdims=True))                  # [N, 1]
    seg_sum = jax.ops.segment_sum(Wc, atom_splits, num_segments=Bn)      # [B, 1]
    Sc = jnp.take(seg_sum, atom_splits, axis=0)                          # [N, 1]
    aa = Wc / Sc                                                         # [N, 1]
    atom_agg = jax.ops.segment_sum(aa * atom_embed, atom_splits, num_segments=Bn)  # [B, DA]
    Wp = jax.ops.segment_max(Wmat, atom_splits, num_segments=Bn)         # [B, L]
    ap = jax.nn.softmax(Wp, axis=-1)                                     # [B, L]
    prot_embed = jnp.einsum('ij,ijk->ik', ap, protSeq_embed)             # [B, DP]
    x = jnp.concatenate([atom_agg, prot_embed], axis=-1)                 # [B, DA+DP]
    x = jax.nn.relu(x @ Wd1 + bd1)
    x = jax.nn.relu(x @ Wd2 + bd2)
    return x @ Wo + bo                                                   # [B, 1]

if __name__ == "__main__":
    import jax
    _d = setup_inputs()
    print(jax.jit(kernel)(*tuple(_d.values())))

</pallas_src>

<mosaic_0001>
module attributes {stable_mosaic.version = 14 : i64} {
  func.func @_kernel_body(%arg0: memref<1xi32, #tpu.memory_space<smem>>, %arg1: memref<36xi32, #tpu.memory_space<smem>>, %arg2: memref<36xi32, #tpu.memory_space<smem>>, %arg3: memref<36xi32, #tpu.memory_space<smem>>, %arg4: memref<36xi32, #tpu.memory_space<smem>>, %arg5: memref<1024x128xf32, #tpu.memory_space<vmem>>, %arg6: memref<2048x128xf32, #tpu.memory_space<vmem>>, %arg7: memref<1024x1xi32, #tpu.memory_space<vmem>>, %arg8: memref<256x128xf32, #tpu.memory_space<vmem>>, %arg9: memref<1x128xf32, #tpu.memory_space<vmem>>, %arg10: memref<1x128xf32, #tpu.memory_space<vmem>>, %arg11: memref<1x1xf32, #tpu.memory_space<vmem>>, %arg12: memref<256x512xf32, #tpu.memory_space<vmem>>, %arg13: memref<1x512xf32, #tpu.memory_space<vmem>>, %arg14: memref<512x256xf32, #tpu.memory_space<vmem>>, %arg15: memref<1x256xf32, #tpu.memory_space<vmem>>, %arg16: memref<256x1xf32, #tpu.memory_space<vmem>>, %arg17: memref<1x1xf32, #tpu.memory_space<vmem>>, %arg18: memref<8x128xf32, #tpu.memory_space<vmem>>, %arg19: memref<2048x128xf32, #tpu.memory_space<vmem>>, %arg20: memref<1024x128xf32, #tpu.memory_space<vmem>>, %arg21: memref<1024x1xf32, #tpu.memory_space<vmem>>, %arg22: memref<4x512xf32, #tpu.memory_space<vmem>>) attributes {dimension_semantics = [], scalar_prefetch = 0 : i64, scratch_operands = 4 : i64, tpu.core_type = #tpu.core_type<tc>} {
    %get3A = arith.constant 0 : index
    %get3A_0 = arith.constant 0 : index
    %get3A_1 = vector.load %arg8[%get3A, %get3A_0] : memref<256x128xf32, #tpu.memory_space<vmem>>, vector<128x128xf32>
    %convert_element_type3A = arith.truncf %get3A_1 : vector<128x128xf32> to vector<128x128xbf16>
    %convert_element_type3A_2 = arith.extf %convert_element_type3A : vector<128x128xbf16> to vector<128x128xf32>
    %get3A_3 = arith.constant 128 : index
    %get3A_4 = arith.constant 0 : index
    %get3A_5 = vector.load %arg8[%get3A_3, %get3A_4] : memref<256x128xf32, #tpu.memory_space<vmem>>, vector<128x128xf32>
    %convert_element_type3A_6 = arith.truncf %get3A_5 : vector<128x128xf32> to vector<128x128xbf16>
    %convert_element_type3A_7 = arith.extf %convert_element_type3A_6 : vector<128x128xbf16> to vector<128x128xf32>
    %get3A_8 = arith.constant 0 : index
    %get3A_9 = arith.constant 0 : index
    %get3A_10 = vector.load %arg6[%get3A_8, %get3A_9] : memref<2048x128xf32, #tpu.memory_space<vmem>>, vector<2048x128xf32>
    %convert_element_type3A_11 = arith.truncf %get3A_10 : vector<2048x128xf32> to vector<2048x128xbf16>
    %convert_element_type3A_12 = arith.extf %convert_element_type3A_11 : vector<2048x128xbf16> to vector<2048x128xf32>
    %dot_general3A = arith.constant dense<0.000000e+00> : vector<2048x128xf32>
    %dot_general3A_13 = tpu.matmul %convert_element_type3A_12, %convert_element_type3A_2, %dot_general3A {dimension_numbers = #tpu.dot_dimension_numbers<[1], [0], [0], [1], [0, 0, 1, 1], [], []>, precision = #tpu.contract_precision<fp32>, transpose_lhs_hint = false} : vector<2048x128xf32>, vector<128x128xf32>, vector<2048x128xf32> -> vector<2048x128xf32>
    %swap3A = arith.constant 0 : index
    %swap3A_14 = arith.constant 0 : index
    %swap3A_15 = vector.load %arg19[%swap3A, %swap3A_14] : memref<2048x128xf32, #tpu.memory_space<vmem>>, vector<2048x128xf32>
    tpu.vector_store %arg19[%swap3A, %swap3A_14], %dot_general3A_13 {strides = array<i32>} : memref<2048x128xf32, #tpu.memory_space<vmem>>, vector<2048x128xf32>,
    %get3A_16 = arith.constant 0 : index
    %get3A_17 = arith.constant 0 : index
    %get3A_18 = vector.load %arg5[%get3A_16, %get3A_17] : memref<1024x128xf32, #tpu.memory_space<vmem>>, vector<1024x128xf32>
    %convert_element_type3A_19 = arith.truncf %get3A_18 : vector<1024x128xf32> to vector<1024x128xbf16>
    %convert_element_type3A_20 = arith.extf %convert_element_type3A_19 : vector<1024x128xbf16> to vector<1024x128xf32>
    %dot_general3A_21 = arith.constant dense<0.000000e+00> : vector<1024x128xf32>
    %dot_general3A_22 = tpu.matmul %convert_element_type3A_20, %convert_element_type3A_7, %dot_general3A_21 {dimension_numbers = #tpu.dot_dimension_numbers<[1], [0], [0], [1], [0, 0, 1, 1], [], []>, precision = #tpu.contract_precision<fp32>, transpose_lhs_hint = false} : vector<1024x128xf32>, vector<128x128xf32>, vector<1024x128xf32> -> vector<1024x128xf32>
    %get3A_23 = arith.constant 0 : index
    %get3A_24 = arith.constant 0 : index
    %get3A_25 = vector.load %arg9[%get3A_23, %get3A_24] : memref<1x128xf32, #tpu.memory_space<vmem>>, vector<1x128xf32>
    %add3A = vector.broadcast %get3A_25 : vector<1x128xf32> to vector<1024x128xf32>
    %add3A_26 = arith.addf %dot_general3A_22, %add3A : vector<1024x128xf32>
    %swap3A_27 = arith.constant 0 : index
    %swap3A_28 = arith.constant 0 : index
    %swap3A_29 = vector.load %arg20[%swap3A_27, %swap3A_28] : memref<1024x128xf32, #tpu.memory_space<vmem>>, vector<1024x128xf32>
    tpu.vector_store %arg20[%swap3A_27, %swap3A_28], %add3A_26 {strides = array<i32>} : memref<1024x128xf32, #tpu.memory_space<vmem>>, vector<1024x128xf32>,
    %broadcast_in_dim3A = arith.constant -1.000000e+30 : f32
    %broadcast_in_dim3A_30 = vector.broadcast %broadcast_in_dim3A : f32 to vector<4x512xf32>
    %swap3A_31 = arith.constant 0 : index
    %swap3A_32 = arith.constant 0 : index
    %swap3A_33 = vector.load %arg22[%swap3A_31, %swap3A_32] : memref<4x512xf32, #tpu.memory_space<vmem>>, vector<4x512xf32>
    tpu.vector_store %arg22[%swap3A_31, %swap3A_32], %broadcast_in_dim3A_30 {strides = array<i32>} : memref<4x512xf32, #tpu.memory_space<vmem>>, vector<4x512xf32>,
    %get3A_34 = arith.constant 0 : index
    %get3A_35 = arith.constant 0 : index
    %get3A_36 = vector.load %arg10[%get3A_34, %get3A_35] : memref<1x128xf32, #tpu.memory_space<vmem>>, vector<1x128xf32>
    %convert_element_type3A_37 = arith.truncf %get3A_36 : vector<1x128xf32> to vector<1x128xbf16>
    %convert_element_type3A_38 = arith.extf %convert_element_type3A_37 : vector<1x128xbf16> to vector<1x128xf32>
    %get3A_39 = arith.constant 0 : index
    %get3A_40 = arith.constant 0 : index
    %get3A_41 = vector.load %arg11[%get3A_39, %get3A_40] : memref<1x1xf32, #tpu.memory_space<vmem>>, vector<1x1xf32>
    %get3A_42 = vector.extract %get3A_41[0, 0] : f32 from vector<1x1xf32>
    %iota3A = tpu.iota {dimensions = array<i32: 0>} : vector<32x1xi32>
    %get3A_43 = arith.constant 0 : index
    %get3A_44 = memref.load %arg0[%get3A_43] : memref<1xi32, #tpu.memory_space<smem>>
    %while3A = arith.constant 0 : i32
    %while3A_45 = arith.constant 0 : i32
    %while3A_46 = arith.subi %get3A_44, %while3A : i32
    %while3A_47 = arith.addi %while3A, %while3A_46 : i32
    %while3A_48 = arith.constant 1 : i32
    %while3A_49 = arith.divsi %while3A_46, %while3A_48 : i32
    %while3A_50 = arith.muli %while3A_49, %while3A_48 : i32
    %while3A_51 = arith.addi %while3A, %while3A_50 : i32
    %while3A_52 = arith.constant 1 : i32
    %while3A_53 = scf.for %while3A_186 = %while3A to %while3A_51 step %while3A_52 iter_args(%while3A_187 = %while3A_45) -> (i32)  : i32 {
      %get3A_188 = arith.index_cast %while3A_186 : i32 to index
      %get3A_189 = memref.load %arg1[%get3A_188] : memref<36xi32, #tpu.memory_space<smem>>
      %get3A_190 = arith.index_cast %while3A_186 : i32 to index
      %get3A_191 = memref.load %arg2[%get3A_190] : memref<36xi32, #tpu.memory_space<smem>>
      %get3A_192 = arith.index_cast %while3A_186 : i32 to index
      %get3A_193 = memref.load %arg3[%get3A_192] : memref<36xi32, #tpu.memory_space<smem>>
      %get3A_194 = arith.index_cast %while3A_186 : i32 to index
      %get3A_195 = memref.load %arg4[%get3A_194] : memref<36xi32, #tpu.memory_space<smem>>
      %add3A_196 = vector.broadcast %get3A_191 : i32 to vector<32x1xi32>
      %add3A_197 = arith.addi %add3A_196, %iota3A : vector<32x1xi32>
      %ge3A = vector.broadcast %get3A_193 : i32 to vector<32x1xi32>
      %ge3A_198 = arith.cmpi sge, %add3A_197, %ge3A : vector<32x1xi32>
      %lt3A = vector.broadcast %get3A_195 : i32 to vector<32x1xi32>
      %lt3A_199 = arith.cmpi slt, %add3A_197, %lt3A : vector<32x1xi32>
      %and3A = arith.andi %ge3A_198, %lt3A_199 : vector<32x1xi1>
      %mul3A_200 = arith.constant 512 : i32
      %mul3A_201 = arith.muli %get3A_189, %mul3A_200 : i32
      %get3A_202 = arith.index_cast %mul3A_201 : i32 to index
      %get3A_203 = arith.constant 0 : index
      %get3A_204 = vector.load %arg19[%get3A_202, %get3A_203] : memref<2048x128xf32, #tpu.memory_space<vmem>>, vector<512x128xf32>
      %get3A_205 = arith.index_cast %get3A_191 : i32 to index
      %get3A_206 = arith.constant 0 : index
      %get3A_207 = vector.load %arg20[%get3A_205, %get3A_206] : memref<1024x128xf32, #tpu.memory_space<vmem>>, vector<32x128xf32>
      %broadcast_in_dim3A_208 = vector.shape_cast %get3A_204 : vector<512x128xf32> to vector<1x512x128xf32>
      %broadcast_in_dim3A_209 = vector.shape_cast %get3A_207 : vector<32x128xf32> to vector<32x1x128xf32>
      %add3A_210 = vector.broadcast %broadcast_in_dim3A_208 : vector<1x512x128xf32> to vector<32x512x128xf32>
      %add3A_211 = vector.broadcast %broadcast_in_dim3A_209 : vector<32x1x128xf32> to vector<32x512x128xf32>
      %add3A_212 = arith.addf %add3A_210, %add3A_211 : vector<32x512x128xf32>
      %tanh3A_213 = math.tanh %add3A_212 : vector<32x512x128xf32>
      %convert_element_type3A_214 = arith.truncf %tanh3A_213 : vector<32x512x128xf32> to vector<32x512x128xbf16>
      %convert_element_type3A_215 = arith.extf %convert_element_type3A_214 : vector<32x512x128xbf16> to vector<32x512x128xf32>
      %broadcast_in_dim3A_216 = vector.shape_cast %convert_element_type3A_38 : vector<1x128xf32> to vector<1x1x128xf32>
      %mul3A_217 = vector.broadcast %broadcast_in_dim3A_216 : vector<1x1x128xf32> to vector<32x512x128xf32>
      %mul3A_218 = arith.mulf %convert_element_type3A_215, %mul3A_217 : vector<32x512x128xf32>
      %reduce_sum3A_219 = arith.constant dense<0.000000e+00> : vector<32x512xf32>
      %reduce_sum3A_220 = vector.multi_reduction <add>, %mul3A_218, %reduce_sum3A_219 [2] : vector<32x512x128xf32> to vector<32x512xf32>
      %add3A_221 = vector.broadcast %get3A_42 : f32 to vector<32x512xf32>
      %add3A_222 = arith.addf %reduce_sum3A_220, %add3A_221 : vector<32x512xf32>
      %reduce_max3A_223 = arith.constant dense<0xFF800000> : vector<32xf32>
      %reduce_max3A_224 = vector.multi_reduction <maximumf>, %add3A_222, %reduce_max3A_223 [1] : vector<32x512xf32> to vector<32xf32>
      %broadcast_in_dim3A_225 = vector.shape_cast %reduce_max3A_224 : vector<32xf32> to vector<32x1xf32>
      %get3A_226 = arith.index_cast %get3A_191 : i32 to index
      %get3A_227 = arith.constant 0 : index
      %get3A_228 = vector.load %arg21[%get3A_226, %get3A_227] : memref<1024x1xf32, #tpu.memory_space<vmem>>, vector<32x1xf32>
      %select_n3A = arith.select %and3A, %broadcast_in_dim3A_225, %get3A_228 : vector<32x1xi1>, vector<32x1xf32>
      %swap3A_229 = arith.index_cast %get3A_191 : i32 to index
      %swap3A_230 = arith.constant 0 : index
      %swap3A_231 = vector.load %arg21[%swap3A_229, %swap3A_230] : memref<1024x1xf32, #tpu.memory_space<vmem>>, vector<32x1xf32>
      tpu.vector_store %arg21[%swap3A_229, %swap3A_230], %select_n3A {strides = array<i32>} : memref<1024x1xf32, #tpu.memory_space<vmem>>, vector<32x1xf32>,
      %jit3A = arith.constant -1.000000e+30 : f32
      %broadcast_in_dim3A_232 = vector.shape_cast %and3A : vector<32x1xi1> to vector<32x1xi1>
      %broadcast_in_dim3A_233 = vector.broadcast %broadcast_in_dim3A_232 : vector<32x1xi1> to vector<32x512xi1>
      %broadcast_in_dim3A_234 = vector.broadcast %jit3A : f32 to vector<32x512xf32>
      %select_n3A_235 = arith.select %broadcast_in_dim3A_233, %add3A_222, %broadcast_in_dim3A_234 : vector<32x512xi1>, vector<32x512xf32>
      %reduce_max3A_236 = arith.constant dense<0xFF800000> : vector<512xf32>
      %reduce_max3A_237 = vector.multi_reduction <maximumf>, %select_n3A_235, %reduce_max3A_236 [0] : vector<32x512xf32> to vector<512xf32>
      %broadcast_in_dim3A_238 = vector.shape_cast %reduce_max3A_237 : vector<512xf32> to vector<1x512xf32>
      %get3A_239 = arith.index_cast %get3A_189 : i32 to index
      %get3A_240 = arith.constant 0 : index
      %get3A_241 = vector.load %arg22[%get3A_239, %get3A_240] : memref<4x512xf32, #tpu.memory_space<vmem>>, vector<1x512xf32>
      %max3A_242 = arith.maximumf %get3A_241, %broadcast_in_dim3A_238 : vector<1x512xf32>
      %swap3A_243 = arith.index_cast %get3A_189 : i32 to index
      %swap3A_244 = arith.constant 0 : index
      %swap3A_245 = vector.load %arg22[%swap3A_243, %swap3A_244] : memref<4x512xf32, #tpu.memory_space<vmem>>, vector<1x512xf32>
      tpu.vector_store %arg22[%swap3A_243, %swap3A_244], %max3A_242 {strides = array<i32>} : memref<4x512xf32, #tpu.memory_space<vmem>>, vector<1x512xf32>,
      %while3A_246 = arith.constant 0 : i32
      scf.yield %while3A_246 : i32
    }
    %while3A_54 = arith.constant 1 : i32
    %while3A_55 = scf.for %while3A_186 = %while3A_51 to %while3A_47 step %while3A_54 iter_args(%while3A_187 = %while3A_53) -> (i32)  : i32 {
      %get3A_188 = arith.index_cast %while3A_186 : i32 to index
      %get3A_189 = memref.load %arg1[%get3A_188] : memref<36xi32, #tpu.memory_space<smem>>
      %get3A_190 = arith.index_cast %while3A_186 : i32 to index
      %get3A_191 = memref.load %arg2[%get3A_190] : memref<36xi32, #tpu.memory_space<smem>>
      %get3A_192 = arith.index_cast %while3A_186 : i32 to index
      %get3A_193 = memref.load %arg3[%get3A_192] : memref<36xi32, #tpu.memory_space<smem>>
      %get3A_194 = arith.index_cast %while3A_186 : i32 to index
      %get3A_195 = memref.load %arg4[%get3A_194] : memref<36xi32, #tpu.memory_space<smem>>
      %add3A_196 = vector.broadcast %get3A_191 : i32 to vector<32x1xi32>
      %add3A_197 = arith.addi %add3A_196, %iota3A : vector<32x1xi32>
      %ge3A = vector.broadcast %get3A_193 : i32 to vector<32x1xi32>
      %ge3A_198 = arith.cmpi sge, %add3A_197, %ge3A : vector<32x1xi32>
      %lt3A = vector.broadcast %get3A_195 : i32 to vector<32x1xi32>
      %lt3A_199 = arith.cmpi slt, %add3A_197, %lt3A : vector<32x1xi32>
      %and3A = arith.andi %ge3A_198, %lt3A_199 : vector<32x1xi1>
      %mul3A_200 = arith.constant 512 : i32
      %mul3A_201 = arith.muli %get3A_189, %mul3A_200 : i32
      %get3A_202 = arith.index_cast %mul3A_201 : i32 to index
      %get3A_203 = arith.constant 0 : index
      %get3A_204 = vector.load %arg19[%get3A_202, %get3A_203] : memref<2048x128xf32, #tpu.memory_space<vmem>>, vector<512x128xf32>
      %get3A_205 = arith.index_cast %get3A_191 : i32 to index
      %get3A_206 = arith.constant 0 : index
      %get3A_207 = vector.load %arg20[%get3A_205, %get3A_206] : memref<1024x128xf32, #tpu.memory_space<vmem>>, vector<32x128xf32>
      %broadcast_in_dim3A_208 = vector.shape_cast %get3A_204 : vector<512x128xf32> to vector<1x512x128xf32>
      %broadcast_in_dim3A_209 = vector.shape_cast %get3A_207 : vector<32x128xf32> to vector<32x1x128xf32>
      %add3A_210 = vector.broadcast %broadcast_in_dim3A_208 : vector<1x512x128xf32> to vector<32x512x128xf32>
      %add3A_211 = vector.broadcast %broadcast_in_dim3A_209 : vector<32x1x128xf32> to vector<32x512x128xf32>
      %add3A_212 = arith.addf %add3A_210, %add3A_211 : vector<32x512x128xf32>
      %tanh3A_213 = math.tanh %add3A_212 : vector<32x512x128xf32>
      %convert_element_type3A_214 = arith.truncf %tanh3A_213 : vector<32x512x128xf32> to vector<32x512x128xbf16>
      %convert_element_type3A_215 = arith.extf %convert_element_type3A_214 : vector<32x512x128xbf16> to vector<32x512x128xf32>
      %broadcast_in_dim3A_216 = vector.shape_cast %convert_element_type3A_38 : vector<1x128xf32> to vector<1x1x128xf32>
      %mul3A_217 = vector.broadcast %broadcast_in_dim3A_216 : vector<1x1x128xf32> to vector<32x512x128xf32>
      %mul3A_218 = arith.mulf %convert_element_type3A_215, %mul3A_217 : vector<32x512x128xf32>
      %reduce_sum3A_219 = arith.constant dense<0.000000e+00> : vector<32x512xf32>
      %reduce_sum3A_220 = vector.multi_reduction <add>, %mul3A_218, %reduce_sum3A_219 [2] : vector<32x512x128xf32> to vector<32x512xf32>
      %add3A_221 = vector.broadcast %get3A_42 : f32 to vector<32x512xf32>
      %add3A_222 = arith.addf %reduce_sum3A_220, %add3A_221 : vector<32x512xf32>
      %reduce_max3A_223 = arith.constant dense<0xFF800000> : vector<32xf32>
      %reduce_max3A_224 = vector.multi_reduction <maximumf>, %add3A_222, %reduce_max3A_223 [1] : vector<32x512xf32> to vector<32xf32>
      %broadcast_in_dim3A_225 = vector.shape_cast %reduce_max3A_224 : vector<32xf32> to vector<32x1xf32>
      %get3A_226 = arith.index_cast %get3A_191 : i32 to index
      %get3A_227 = arith.constant 0 : index
      %get3A_228 = vector.load %arg21[%get3A_226, %get3A_227] : memref<1024x1xf32, #tpu.memory_space<vmem>>, vector<32x1xf32>
      %select_n3A = arith.select %and3A, %broadcast_in_dim3A_225, %get3A_228 : vector<32x1xi1>, vector<32x1xf32>
      %swap3A_229 = arith.index_cast %get3A_191 : i32 to index
      %swap3A_230 = arith.constant 0 : index
      %swap3A_231 = vector.load %arg21[%swap3A_229, %swap3A_230] : memref<1024x1xf32, #tpu.memory_space<vmem>>, vector<32x1xf32>
      tpu.vector_store %arg21[%swap3A_229, %swap3A_230], %select_n3A {strides = array<i32>} : memref<1024x1xf32, #tpu.memory_space<vmem>>, vector<32x1xf32>,
      %jit3A = arith.constant -1.000000e+30 : f32
      %broadcast_in_dim3A_232 = vector.shape_cast %and3A : vector<32x1xi1> to vector<32x1xi1>
      %broadcast_in_dim3A_233 = vector.broadcast %broadcast_in_dim3A_232 : vector<32x1xi1> to vector<32x512xi1>
      %broadcast_in_dim3A_234 = vector.broadcast %jit3A : f32 to vector<32x512xf32>
      %select_n3A_235 = arith.select %broadcast_in_dim3A_233, %add3A_222, %broadcast_in_dim3A_234 : vector<32x512xi1>, vector<32x512xf32>
      %reduce_max3A_236 = arith.constant dense<0xFF800000> : vector<512xf32>
      %reduce_max3A_237 = vector.multi_reduction <maximumf>, %select_n3A_235, %reduce_max3A_236 [0] : vector<32x512xf32> to vector<512xf32>
      %broadcast_in_dim3A_238 = vector.shape_cast %reduce_max3A_237 : vector<512xf32> to vector<1x512xf32>
      %get3A_239 = arith.index_cast %get3A_189 : i32 to index
      %get3A_240 = arith.constant 0 : index
      %get3A_241 = vector.load %arg22[%get3A_239, %get3A_240] : memref<4x512xf32, #tpu.memory_space<vmem>>, vector<1x512xf32>
      %max3A_242 = arith.maximumf %get3A_241, %broadcast_in_dim3A_238 : vector<1x512xf32>
      %swap3A_243 = arith.index_cast %get3A_189 : i32 to index
      %swap3A_244 = arith.constant 0 : index
      %swap3A_245 = vector.load %arg22[%swap3A_243, %swap3A_244] : memref<4x512xf32, #tpu.memory_space<vmem>>, vector<1x512xf32>
      tpu.vector_store %arg22[%swap3A_243, %swap3A_244], %max3A_242 {strides = array<i32>} : memref<4x512xf32, #tpu.memory_space<vmem>>, vector<1x512xf32>,
      %while3A_246 = arith.constant 0 : i32
      scf.yield %while3A_246 : i32
    }
    %get3A_56 = arith.constant 0 : index
    %get3A_57 = arith.constant 0 : index
    %get3A_58 = vector.load %arg21[%get3A_56, %get3A_57] : memref<1024x1xf32, #tpu.memory_space<vmem>>, vector<1024x1xf32>
    %tanh3A = math.tanh %get3A_58 : vector<1024x1xf32>
    %mul3A = arith.constant 5.000000e+00 : f32
    %mul3A_59 = vector.broadcast %mul3A : f32 to vector<1024x1xf32>
    %mul3A_60 = arith.mulf %mul3A_59, %tanh3A : vector<1024x1xf32>
    %exp3A = math.exp %mul3A_60 : vector<1024x1xf32>
    %iota3A_61 = tpu.iota {dimensions = array<i32: 1>} : vector<1024x128xi32>
    %get3A_62 = arith.constant 0 : index
    %get3A_63 = arith.constant 0 : index
    %get3A_64 = vector.load %arg7[%get3A_62, %get3A_63] : memref<1024x1xi32, #tpu.memory_space<vmem>>, vector<1024x1xi32>
    %eq3A = vector.broadcast %get3A_64 : vector<1024x1xi32> to vector<1024x128xi32>
    %eq3A_65 = arith.cmpi eq, %iota3A_61, %eq3A : vector<1024x128xi32>
    %convert_element_type3A_66 = arith.extui %eq3A_65 : vector<1024x128xi1> to vector<1024x128xi32>
    %convert_element_type3A_67 = arith.sitofp %convert_element_type3A_66 : vector<1024x128xi32> to vector<1024x128xf32>
    %dot_general3A_68 = arith.constant dense<0.000000e+00> : vector<128x1xf32>
    %dot_general3A_69 = tpu.matmul %convert_element_type3A_67, %exp3A, %dot_general3A_68 {dimension_numbers = #tpu.dot_dimension_numbers<[0], [0], [1], [1], [0, 1, 1, 1], [], []>, precision = #tpu.contract_precision<fp32>, transpose_lhs_hint = false} : vector<1024x128xf32>, vector<1024x1xf32>, vector<128x1xf32> -> vector<128x1xf32>
    %dot_general3A_70 = arith.constant dense<0.000000e+00> : vector<1024x1xf32>
    %dot_general3A_71 = tpu.matmul %convert_element_type3A_67, %dot_general3A_69, %dot_general3A_70 {dimension_numbers = #tpu.dot_dimension_numbers<[1], [0], [0], [1], [0, 0, 1, 1], [], []>, precision = #tpu.contract_precision<fp32>, transpose_lhs_hint = false} : vector<1024x128xf32>, vector<128x1xf32>, vector<1024x1xf32> -> vector<1024x1xf32>
    %div3A = arith.divf %exp3A, %dot_general3A_71 : vector<1024x1xf32>
    %get3A_72 = arith.constant 0 : index
    %get3A_73 = arith.constant 0 : index
    %get3A_74 = vector.load %arg5[%get3A_72, %get3A_73] : memref<1024x128xf32, #tpu.memory_space<vmem>>, vector<1024x128xf32>
    %mul3A_75 = vector.broadcast %div3A : vector<1024x1xf32> to vector<1024x128xf32>
    %mul3A_76 = arith.mulf %mul3A_75, %get3A_74 : vector<1024x128xf32>
    %dot_general3A_77 = arith.constant dense<0.000000e+00> : vector<128x128xf32>
    %dot_general3A_78 = tpu.matmul %convert_element_type3A_67, %mul3A_76, %dot_general3A_77 {dimension_numbers = #tpu.dot_dimension_numbers<[0], [0], [1], [1], [0, 1, 1, 1], [], []>, precision = #tpu.contract_precision<fp32>, transpose_lhs_hint = false} : vector<1024x128xf32>, vector<1024x128xf32>, vector<128x128xf32> -> vector<128x128xf32>
    %get3A_79 = arith.constant 0 : index
    %get3A_80 = arith.constant 0 : index
    %get3A_81 = vector.load %arg22[%get3A_79, %get3A_80] : memref<4x512xf32, #tpu.memory_space<vmem>>, vector<4x512xf32>
    %tanh3A_82 = math.tanh %get3A_81 : vector<4x512xf32>
    %mul3A_83 = arith.constant 5.000000e+00 : f32
    %mul3A_84 = vector.broadcast %mul3A_83 : f32 to vector<4x512xf32>
    %mul3A_85 = arith.mulf %mul3A_84, %tanh3A_82 : vector<4x512xf32>
    %reduce_max3A = arith.constant dense<0xFF800000> : vector<4xf32>
    %reduce_max3A_86 = vector.multi_reduction <maximumf>, %mul3A_85, %reduce_max3A [1] : vector<4x512xf32> to vector<4xf32>
    %broadcast_in_dim3A_87 = vector.shape_cast %reduce_max3A_86 : vector<4xf32> to vector<4x1xf32>
    %sub3A = vector.broadcast %broadcast_in_dim3A_87 : vector<4x1xf32> to vector<4x512xf32>
    %sub3A_88 = arith.subf %mul3A_85, %sub3A : vector<4x512xf32>
    %exp3A_89 = math.exp %sub3A_88 : vector<4x512xf32>
    %reduce_sum3A = arith.constant dense<0.000000e+00> : vector<4xf32>
    %reduce_sum3A_90 = vector.multi_reduction <add>, %exp3A_89, %reduce_sum3A [1] : vector<4x512xf32> to vector<4xf32>
    %broadcast_in_dim3A_91 = vector.shape_cast %reduce_sum3A_90 : vector<4xf32> to vector<4x1xf32>
    %div3A_92 = vector.broadcast %broadcast_in_dim3A_91 : vector<4x1xf32> to vector<4x512xf32>
    %div3A_93 = arith.divf %exp3A_89, %div3A_92 : vector<4x512xf32>
    %slice3A = vector.extract_strided_slice %div3A_93 {offsets = [0, 0], sizes = [1, 512], strides = [1, 1]} : vector<4x512xf32> to vector<1x512xf32>
    %convert_element_type3A_94 = arith.truncf %slice3A : vector<1x512xf32> to vector<1x512xbf16>
    %convert_element_type3A_95 = arith.extf %convert_element_type3A_94 : vector<1x512xbf16> to vector<1x512xf32>
    %get3A_96 = arith.constant 0 : index
    %get3A_97 = arith.constant 0 : index
    %get3A_98 = vector.load %arg6[%get3A_96, %get3A_97] : memref<2048x128xf32, #tpu.memory_space<vmem>>, vector<512x128xf32>
    %convert_element_type3A_99 = arith.truncf %get3A_98 : vector<512x128xf32> to vector<512x128xbf16>
    %convert_element_type3A_100 = arith.extf %convert_element_type3A_99 : vector<512x128xbf16> to vector<512x128xf32>
    %dot_general3A_101 = arith.constant dense<0.000000e+00> : vector<1x128xf32>
    %dot_general3A_102 = tpu.matmul %convert_element_type3A_95, %convert_element_type3A_100, %dot_general3A_101 {dimension_numbers = #tpu.dot_dimension_numbers<[1], [0], [0], [1], [0, 0, 1, 1], [], []>, precision = #tpu.contract_precision<fp32>, transpose_lhs_hint = false} : vector<1x512xf32>, vector<512x128xf32>, vector<1x128xf32> -> vector<1x128xf32>
    %slice3A_103 = vector.extract_strided_slice %div3A_93 {offsets = [1, 0], sizes = [1, 512], strides = [1, 1]} : vector<4x512xf32> to vector<1x512xf32>
    %convert_element_type3A_104 = arith.truncf %slice3A_103 : vector<1x512xf32> to vector<1x512xbf16>
    %convert_element_type3A_105 = arith.extf %convert_element_type3A_104 : vector<1x512xbf16> to vector<1x512xf32>
    %get3A_106 = arith.constant 512 : index
    %get3A_107 = arith.constant 0 : index
    %get3A_108 = vector.load %arg6[%get3A_106, %get3A_107] : memref<2048x128xf32, #tpu.memory_space<vmem>>, vector<512x128xf32>
    %convert_element_type3A_109 = arith.truncf %get3A_108 : vector<512x128xf32> to vector<512x128xbf16>
    %convert_element_type3A_110 = arith.extf %convert_element_type3A_109 : vector<512x128xbf16> to vector<512x128xf32>
    %dot_general3A_111 = arith.constant dense<0.000000e+00> : vector<1x128xf32>
    %dot_general3A_112 = tpu.matmul %convert_element_type3A_105, %convert_element_type3A_110, %dot_general3A_111 {dimension_numbers = #tpu.dot_dimension_numbers<[1], [0], [0], [1], [0, 0, 1, 1], [], []>, precision = #tpu.contract_precision<fp32>, transpose_lhs_hint = false} : vector<1x512xf32>, vector<512x128xf32>, vector<1x128xf32> -> vector<1x128xf32>
    %slice3A_113 = vector.extract_strided_slice %div3A_93 {offsets = [2, 0], sizes = [1, 512], strides = [1, 1]} : vector<4x512xf32> to vector<1x512xf32>
    %convert_element_type3A_114 = arith.truncf %slice3A_113 : vector<1x512xf32> to vector<1x512xbf16>
    %convert_element_type3A_115 = arith.extf %convert_element_type3A_114 : vector<1x512xbf16> to vector<1x512xf32>
    %get3A_116 = arith.constant 1024 : index
    %get3A_117 = arith.constant 0 : index
    %get3A_118 = vector.load %arg6[%get3A_116, %get3A_117] : memref<2048x128xf32, #tpu.memory_space<vmem>>, vector<512x128xf32>
    %convert_element_type3A_119 = arith.truncf %get3A_118 : vector<512x128xf32> to vector<512x128xbf16>
    %convert_element_type3A_120 = arith.extf %convert_element_type3A_119 : vector<512x128xbf16> to vector<512x128xf32>
    %dot_general3A_121 = arith.constant dense<0.000000e+00> : vector<1x128xf32>
    %dot_general3A_122 = tpu.matmul %convert_element_type3A_115, %convert_element_type3A_120, %dot_general3A_121 {dimension_numbers = #tpu.dot_dimension_numbers<[1], [0], [0], [1], [0, 0, 1, 1], [], []>, precision = #tpu.contract_precision<fp32>, transpose_lhs_hint = false} : vector<1x512xf32>, vector<512x128xf32>, vector<1x128xf32> -> vector<1x128xf32>
    %slice3A_123 = vector.extract_strided_slice %div3A_93 {offsets = [3, 0], sizes = [1, 512], strides = [1, 1]} : vector<4x512xf32> to vector<1x512xf32>
    %convert_element_type3A_124 = arith.truncf %slice3A_123 : vector<1x512xf32> to vector<1x512xbf16>
    %convert_element_type3A_125 = arith.extf %convert_element_type3A_124 : vector<1x512xbf16> to vector<1x512xf32>
    %get3A_126 = arith.constant 1536 : index
    %get3A_127 = arith.constant 0 : index
    %get3A_128 = vector.load %arg6[%get3A_126, %get3A_127] : memref<2048x128xf32, #tpu.memory_space<vmem>>, vector<512x128xf32>
    %convert_element_type3A_129 = arith.truncf %get3A_128 : vector<512x128xf32> to vector<512x128xbf16>
    %convert_element_type3A_130 = arith.extf %convert_element_type3A_129 : vector<512x128xbf16> to vector<512x128xf32>
    %dot_general3A_131 = arith.constant dense<0.000000e+00> : vector<1x128xf32>
    %dot_general3A_132 = tpu.matmul %convert_element_type3A_125, %convert_element_type3A_130, %dot_general3A_131 {dimension_numbers = #tpu.dot_dimension_numbers<[1], [0], [0], [1], [0, 0, 1, 1], [], []>, precision = #tpu.contract_precision<fp32>, transpose_lhs_hint = false} : vector<1x512xf32>, vector<512x128xf32>, vector<1x128xf32> -> vector<1x128xf32>
    %concatenate3A = tpu.concatenate %dot_general3A_102, %dot_general3A_112, %dot_general3A_122, %dot_general3A_132 in 0 : vector<1x128xf32>, vector<1x128xf32>, vector<1x128xf32>, vector<1x128xf32> -> vector<4x128xf32>
    %slice3A_133 = vector.extract_strided_slice %dot_general3A_78 {offsets = [0, 0], sizes = [4, 128], strides = [1, 1]} : vector<128x128xf32> to vector<4x128xf32>
    %concatenate3A_134 = tpu.concatenate %slice3A_133, %concatenate3A in 1 : vector<4x128xf32>, vector<4x128xf32> -> vector<4x256xf32>
    %convert_element_type3A_135 = arith.truncf %concatenate3A_134 : vector<4x256xf32> to vector<4x256xbf16>
    %convert_element_type3A_136 = arith.extf %convert_element_type3A_135 : vector<4x256xbf16> to vector<4x256xf32>
    %get3A_137 = arith.constant 0 : index
    %get3A_138 = arith.constant 0 : index
    %get3A_139 = vector.load %arg12[%get3A_137, %get3A_138] : memref<256x512xf32, #tpu.memory_space<vmem>>, vector<256x512xf32>
    %convert_element_type3A_140 = arith.truncf %get3A_139 : vector<256x512xf32> to vector<256x512xbf16>
    %convert_element_type3A_141 = arith.extf %convert_element_type3A_140 : vector<256x512xbf16> to vector<256x512xf32>
    %dot_general3A_142 = arith.constant dense<0.000000e+00> : vector<4x512xf32>
    %dot_general3A_143 = tpu.matmul %convert_element_type3A_136, %convert_element_type3A_141, %dot_general3A_142 {dimension_numbers = #tpu.dot_dimension_numbers<[1], [0], [0], [1], [0, 0, 1, 1], [], []>, precision = #tpu.contract_precision<fp32>, transpose_lhs_hint = false} : vector<4x256xf32>, vector<256x512xf32>, vector<4x512xf32> -> vector<4x512xf32>
    %get3A_144 = arith.constant 0 : index
    %get3A_145 = arith.constant 0 : index
    %get3A_146 = vector.load %arg13[%get3A_144, %get3A_145] : memref<1x512xf32, #tpu.memory_space<vmem>>, vector<1x512xf32>
    %add3A_147 = vector.broadcast %get3A_146 : vector<1x512xf32> to vector<4x512xf32>
    %add3A_148 = arith.addf %dot_general3A_143, %add3A_147 : vector<4x512xf32>
    %max3A = arith.constant 0.000000e+00 : f32
    %max3A_149 = vector.broadcast %max3A : f32 to vector<4x512xf32>
    %max3A_150 = arith.maximumf %add3A_148, %max3A_149 : vector<4x512xf32>
    %convert_element_type3A_151 = arith.truncf %max3A_150 : vector<4x512xf32> to vector<4x512xbf16>
    %convert_element_type3A_152 = arith.extf %convert_element_type3A_151 : vector<4x512xbf16> to vector<4x512xf32>
    %get3A_153 = arith.constant 0 : index
    %get3A_154 = arith.constant 0 : index
    %get3A_155 = vector.load %arg14[%get3A_153, %get3A_154] : memref<512x256xf32, #tpu.memory_space<vmem>>, vector<512x256xf32>
    %convert_element_type3A_156 = arith.truncf %get3A_155 : vector<512x256xf32> to vector<512x256xbf16>
    %convert_element_type3A_157 = arith.extf %convert_element_type3A_156 : vector<512x256xbf16> to vector<512x256xf32>
    %dot_general3A_158 = arith.constant dense<0.000000e+00> : vector<4x256xf32>
    %dot_general3A_159 = tpu.matmul %convert_element_type3A_152, %convert_element_type3A_157, %dot_general3A_158 {dimension_numbers = #tpu.dot_dimension_numbers<[1], [0], [0], [1], [0, 0, 1, 1], [], []>, precision = #tpu.contract_precision<fp32>, transpose_lhs_hint = false} : vector<4x512xf32>, vector<512x256xf32>, vector<4x256xf32> -> vector<4x256xf32>
    %get3A_160 = arith.constant 0 : index
    %get3A_161 = arith.constant 0 : index
    %get3A_162 = vector.load %arg15[%get3A_160, %get3A_161] : memref<1x256xf32, #tpu.memory_space<vmem>>, vector<1x256xf32>
    %add3A_163 = vector.broadcast %get3A_162 : vector<1x256xf32> to vector<4x256xf32>
    %add3A_164 = arith.addf %dot_general3A_159, %add3A_163 : vector<4x256xf32>
    %max3A_165 = arith.constant 0.000000e+00 : f32
    %max3A_166 = vector.broadcast %max3A_165 : f32 to vector<4x256xf32>
    %max3A_167 = arith.maximumf %add3A_164, %max3A_166 : vector<4x256xf32>
    %convert_element_type3A_168 = arith.truncf %max3A_167 : vector<4x256xf32> to vector<4x256xbf16>
    %convert_element_type3A_169 = arith.extf %convert_element_type3A_168 : vector<4x256xbf16> to vector<4x256xf32>
    %get3A_170 = arith.constant 0 : index
    %get3A_171 = arith.constant 0 : index
    %get3A_172 = vector.load %arg16[%get3A_170, %get3A_171] : memref<256x1xf32, #tpu.memory_space<vmem>>, vector<256x1xf32>
    %convert_element_type3A_173 = arith.truncf %get3A_172 : vector<256x1xf32> to vector<256x1xbf16>
    %convert_element_type3A_174 = arith.extf %convert_element_type3A_173 : vector<256x1xbf16> to vector<256x1xf32>
    %dot_general3A_175 = arith.constant dense<0.000000e+00> : vector<4x1xf32>
    %dot_general3A_176 = tpu.matmul %convert_element_type3A_169, %convert_element_type3A_174, %dot_general3A_175 {dimension_numbers = #tpu.dot_dimension_numbers<[1], [0], [0], [1], [0, 0, 1, 1], [], []>, precision = #tpu.contract_precision<fp32>, transpose_lhs_hint = false} : vector<4x256xf32>, vector<256x1xf32>, vector<4x1xf32> -> vector<4x1xf32>
    %get3A_177 = arith.constant 0 : index
    %get3A_178 = arith.constant 0 : index
    %get3A_179 = vector.load %arg17[%get3A_177, %get3A_178] : memref<1x1xf32, #tpu.memory_space<vmem>>, vector<1x1xf32>
    %get3A_180 = vector.extract %get3A_179[0, 0] : f32 from vector<1x1xf32>
    %add3A_181 = vector.broadcast %get3A_180 : f32 to vector<4x1xf32>
    %add3A_182 = arith.addf %dot_general3A_176, %add3A_181 : vector<4x1xf32>
    %swap3A_183 = arith.constant 0 : index
    %swap3A_184 = arith.constant 0 : index
    %swap3A_185 = vector.load %arg18[%swap3A_183, %swap3A_184] : memref<8x128xf32, #tpu.memory_space<vmem>>, vector<4x1xf32>
    tpu.vector_store %arg18[%swap3A_183, %swap3A_184], %add3A_182 {strides = array<i32>} : memref<8x128xf32, #tpu.memory_space<vmem>>, vector<4x1xf32>,
    return
  }
}

</mosaic_0001>

<sc_bundles>
// kernel: scatter_offload_async_start
scs
__scs_entry_jumppad:
0x0: {  	(pc) =	sbr.rel $0x88, $3  }
0x1: {  	(tag) =	ssettag $0x0;
	lr =	simm.s32 $0x1  }
0x2: {  	[smem:$0x3F94] =	sst lr;
	_ =	strace $0xD0000000  }
0x3: {  	_ = 	snop  }
0x4: {  	_ = 	snop  }
0x5: {  	_ = 	snop  }
0x6: {  	_ = 	snop  }
0x7: {  	_ = 	snop  }
__scs_overlays_trampoline_lowered:
0x8: {  	[smem:$0x3FA3] =	sst s0  }
0x9: {  	[smem:$0x3FA4] =	sst s1  }
0xa: {  	[smem:$0x3FA5] =	sst s2  }
0xb: {  	[smem:$0x3FA6] =	sst s3  }
0xc: {  	[smem:$0x3FA7] =	sst s4  }
0xd: {  	[smem:$0x3FA8] =	sst s5  }
0xe: {  	[smem:$0x3FA9] =	sst s6  }
0xf: {  	[smem:$0x3FAA] =	sst s7  }
0x10: {  	[smem:$0x3FAB] =	sst s8  }
0x11: {  	[smem:$0x3FAC] =	sst s9;
	s0 =	simm.s32 @!p0 $0x0  }
0x12: {  	s1 =	sld [smem:$0x3F92];
	s0 =	simm.s32 @p0 $0x1  }
0x13: {  	[smem:$0x3FAD] =	sst s0;
	s0 =	simm.s32 @!p1 $0x0  }
0x14: {  	s2 =	sld [smem:$0x3F91];
	s0 =	simm.s32 @p1 $0x1  }
0x15: {  	[smem:$0x3FAE] =	sst s0;
	s0 =	simm.s32 @!p2 $0x0  }
0x16: {  	s3 =	sld [smem:$0x3FDB];
	s0 =	simm.s32 @p2 $0x1  }
0x17: {  	s4 =	simm.s32 $0x1BF5;
	[smem:$0x3FB0] =	sst s0  }
0x18: {  	s0 =	sld [smem:$0x3F93];
	_ =	swait.ge [sflag:s4], $0x0  }
0x19: {  	s7 =	sld [smem:$0x3F94]  }
0x1a: {  	s8 =	sadd.s32 $0xFFFFE003, lr  }
0x1b: {  	s9 =	sadd.s32 $0xFFFFFEF7, lr;
	s5 =	simm.s32 $0xFFFFFFFF;
	p2 =	slt.u32 s8, $0xFFFFF086  }
0x1c: {  	p1 =	slt.u32 s9, $0xF7A;
	s5 =	simm.s32 @!p2 $0x0  }
0x1d: {  	s5 =	simm.s32 @p1 $0x1;
	p0 =	seq.s32 s7, s2  }
0x1e: {  	s7 =	smul.u32 @!p0 $0xF7A, s2;
	p2 =	seq.s32 @!p0 s5, $0x0  }
0x1f: {  	s9 =	smul.u32 $0xF7A, s1;
	s8 =	simm.s32 @!p0 $0x1BF5;
	p2 =	por !p2, p0  }
0x20: {  	[sflag:s8] =	ssyncset.s32 @!p0 $0xFFFFF086;
	s6 =	sadd.s32 @!p0 s3, s7;
	s7 =	simm.s32 @!p0 $0x108  }
0x21: {  	s3 =	sadd.s32 s3, s9;
	s6 =	sadd.s32 @!p0 $0x88, s6;
	s7 =	simm.s32 @p2 $0x1082  }
0x22: {  	[simem:s7], [sflag:s8] =	dma.local @!p0 [hbm:s6], $0xF7A  }
0x23: {  	s9 =	sor.u32 $0xD0000000, s2;
	s6 =	simm.s32 $0x108;
	_ =	swait.ge @!p0 [sflag:s8], $0x0  }
0x24: {  	s3 =	sadd.s32 $0x88, s3;
	s6 =	simm.s32 @!p1 $0x1082;
	[sflag:s4] =	ssyncset.s32 $0xFFFFF086  }
0x25: {  	[simem:s6], [sflag:s4] =	dma.local [hbm:s3], $0xF7A  }
0x26: {  	[smem:$0x3F94] =	sst s1;
	(tag) =	ssettag s2;
	_ =	strace s9  }
0x27: {  	s1 =	sld [smem:$0x3FA4]  }
0x28: {  	s2 =	sld [smem:$0x3FA5]  }
0x29: {  	s4 =	sld [smem:$0x3FA7]  }
0x2a: {  	p0 =	seq.s32 s5, $0x0;
	s5 =	sld [smem:$0x3FA8]  }
0x2b: {  	s6 =	sld [smem:$0x3FA9]  }
0x2c: {  	s7 =	sld [smem:$0x3FAA]  }
0x2d: {  	s3 =	simm.s32 $0x108;
	s8 =	sld [smem:$0x3FAB]  }
0x2e: {  	s3 =	simm.s32 @!p0 $0x1082;
	s9 =	sld [smem:$0x3FAC]  }
0x2f: {  	lr =	sadd.s32 s0, s3;
	s0 =	sld [smem:$0x3FA3]  }
0x30: {  	s3 =	sld [smem:$0x3FA6]  }
0x31: {  	[smem:$0x3FAF] =	sst s10  }
0x32: {  	s10 =	sld [smem:$0x3FAD];
	_ =	sdelay $0x3  }
0x33: {  	p0 =	seq.s32 s10, $0x1;
	s10 =	sld [smem:$0x3FAF];
	_ =	sdelay $0x3  }
0x34: {  	[smem:$0x3FAF] =	sst s10  }
0x35: {  	s10 =	sld [smem:$0x3FAE];
	_ =	sdelay $0x3  }
0x36: {  	p1 =	seq.s32 s10, $0x1;
	s10 =	sld [smem:$0x3FAF];
	_ =	sdelay $0x3  }
0x37: {  	[smem:$0x3FAF] =	sst s10  }
0x38: {  	s10 =	sld [smem:$0x3FB0]  }
0x39: {  	_ = 	snop;
	(pc) =	sbr.ind lr, $3  }
0x3a: {  	_ = 	snop  }
0x3b: {  	_ = 	snop  }
0x3c: {  	p2 =	seq.s32 s10, $0x1;
	s10 =	sld [smem:$0x3FAF]  }
0x3d: {  	_ =	shalt  }
0x3e: {  	_ =	shalt  }
0x3f: {  	_ =	shalt  }
0x40: {  	_ =	shalt  }
0x41: {  	_ =	shalt  }
0x42: {  	_ =	shalt  }
0x43: {  	_ =	shalt  }
0x44: {  	_ =	shalt  }
0x45: {  	_ =	shalt  }
0x46: {  	_ =	shalt  }
0x47: {  	_ =	shalt  }
0x48: {  	_ =	shalt  }
0x49: {  	_ =	shalt  }
0x4a: {  	_ =	shalt  }
0x4b: {  	_ =	shalt  }
0x4c: {  	_ =	shalt  }
0x4d: {  	_ =	shalt  }
0x4e: {  	_ =	shalt  }
0x4f: {  	_ =	shalt  }
0x50: {  	_ =	shalt  }
0x51: {  	_ =	shalt  }
0x52: {  	_ =	shalt  }
0x53: {  	_ =	shalt  }
0x54: {  	_ =	shalt  }
0x55: {  	_ =	shalt  }
0x56: {  	_ =	shalt  }
0x57: {  	_ =	shalt  }
0x58: {  	_ =	shalt  }
0x59: {  	_ =	shalt  }
0x5a: {  	_ =	shalt  }
0x5b: {  	_ =	shalt  }
0x5c: {  	_ =	shalt  }
0x5d: {  	_ =	shalt  }
0x5e: {  	_ =	shalt  }
0x5f: {  	_ =	shalt  }
0x60: {  	_ =	shalt  }
0x61: {  	_ =	shalt  }
0x62: {  	_ =	shalt  }
0x63: {  	_ =	shalt  }
0x64: {  	_ =	shalt  }
0x65: {  	_ =	shalt  }
0x66: {  	_ =	shalt  }
0x67: {  	_ =	shalt  }
0x68: {  	_ =	shalt  }
0x69: {  	_ =	shalt  }
0x6a: {  	_ =	shalt  }
0x6b: {  	_ =	shalt  }
0x6c: {  	_ =	shalt  }
0x6d: {  	_ =	shalt  }
0x6e: {  	_ =	shalt  }
0x6f: {  	_ =	shalt  }
0x70: {  	_ =	shalt  }
0x71: {  	_ =	shalt  }
0x72: {  	_ =	shalt  }
0x73: {  	_ =	shalt  }
0x74: {  	_ =	shalt  }
0x75: {  	_ =	shalt  }
0x76: {  	_ =	shalt  }
0x77: {  	_ =	shalt  }
0x78: {  	_ =	shalt  }
0x79: {  	_ =	shalt  }
0x7a: {  	_ =	shalt  }
0x7b: {  	_ =	shalt  }
0x7c: {  	_ =	shalt  }
0x7d: {  	_ =	shalt  }
0x7e: {  	_ =	shalt  }
0x7f: {  	_ =	shalt  }
0x80: {  	_ =	shalt  }
0x81: {  	_ =	shalt  }
0x82: {  	_ =	shalt  }
0x83: {  	_ =	shalt  }
0x84: {  	_ =	shalt  }
0x85: {  	_ =	shalt  }
0x86: {  	_ =	shalt  }
0x87: {  	_ =	shalt  }
.Lfunc_end0:
.L_simem_size_0:
called_computation_lowered:
.L_overlay_start_0:
0x88: {  	s0 =	sld [smem:$0x3FD9]  }
0x89: {  	s1 =	sld [smem:$0x3FFE];
	_ =	sdelay $0x3  }
0x8a: {  	s0 =	sadd.s32 s1, s0  }
0x8b: {  	[smem:$0x3FBB] =	sst s0  }
0x8c: {  	_ = 	snop  }
0x8d: {  	s0 =	sld [smem:$0x3FD0];
	(tm) =	ssettm $0x1  }
0x8e: {  	s16 =	sld [smem:$0x3FFB];
	_ =	sdelay $0x3  }
0x8f: {  	_ =	strace s16  }
0x90: {  	s1 =	sld [smem:$0x3FFC];
	_ =	sdelay $0x3  }
0x91: {  	_ =	strace s1  }
0x92: {  	s1 =	sld [smem:$0x3FFD];
	_ =	sdelay $0x3  }
0x93: {  	_ =	strace s1  }
0x94: {  	_ =	strace $0x8FFFFFFF  }
0x95: {  	s17 =	sld [smem:$0x3FDB];
	_ =	sdelay $0x1  }
0x96: {  	s2 =	simm.s32 $_scs_section_size  }
0x97: {  	s3 =	simm.s32 $_size__tile_overlayer_lowered;
	s4 =	simm.s32 $_tile_overlayer_lowered  }
0x98: {  	s20 =	simm.s32 $0x1BFF;
	s19 =	sshll.u32 s4, $0x1;
	s1 =	sadd.s32 s2, s17  }
0x99: {  	s5 =	simm.s32 $0x0;
	s18 =	sshll.u32 s3, $0x1;
	s3 =	sadd.s32 s19, s1  }
0x9a: {  	[timem:s5], [sflag:s20] =	dma.local [hbm:s3], s18  }
0x9b: {  	_ =	swait.ge [sflag:s20], s18  }
0x9c: {  	s2 =	ssub.s32 $0x0, s18;
	[sflag:s20] =	ssyncset.done $0x0  }
0x9d: {  	[sflag:s20] =	ssyncadd.s32 s2;
	_ =	sdelay $0x1  }
0x9e: {  	s21 =	simm.s32 $0x1B8B  }
0x9f: {  	_ =	swait.ge [sflag:s21], $0x1  }
0xa0: {  	[sflag:s21] =	ssyncset.done $0x0  }
0xa1: {  	s23 =	simm.s32 $0x1B8E;
	s22 =	sld [smem:$0x3FFE];
	[sflag:s21] =	ssyncadd.s32 $0xFFFFFFFF  }
0xa2: {  	s24 =	simm.s32 $execute0_lowered;
	[smem:$0x3FD2] =	sst s23  }
0xa3: {  	s3 =	sshll.u32 s24, $0x1;
	_ =	strace $0x80000046;
	[dreg:$0x1] =	wrdreg $0xFFFFFFFF  }
0xa4: {  	s25 =	simm.s32 $_size_execute0_lowered;
	s1 =	sadd.s32 s1, s3;
	[dreg:$0x0] =	wrdreg $0x0  }
0xa5: {  	s3 =	sshll.u32 s25, $0x1;
	[dreg:$0x2] =	wrdreg s1  }
0xa6: {  	[dreg:$0x3] =	wrdreg s3  }
0xa7: {  	[dreg:$0x4] =	wrdreg $0xC0  }
0xa8: {  	_ =	task [dreg:s5], $0x5FFFF  }
0xa9: {  	[dreg:$0x1] =	wrdreg $0xFFFFFFFF  }
0xaa: {  	[dreg:$0x0] =	wrdreg $0x60  }
0xab: {  	[dreg:$0x2] =	wrdreg s0  }
0xac: {  	[dreg:$0x3] =	wrdreg s22  }
0xad: {  	[dreg:$0x4] =	wrdreg $0x9  }
0xae: {  	_ =	task.clear_ibuf [dreg:s5], $0x5FFFF;
	_ =	strace $0x90000046  }
0xaf: {  	s26 =	simm.s32 $0x9;
	_ =	strace $0x80000048  }
0xb0: {  	_ =	swait.ge [sflag:s26], $0x1  }
0xb1: {  	[sflag:s26] =	ssyncadd.s32 $0xFFFFFFFF  }
0xb2: {  	_ =	strace $0x90000048  }
0xb3: {  	_ =	sfence  }
0xb4: {  	s28 =	sld [smem:$0x0];
	_ =	sdelay $0x1  }
0xb5: {  	s29 =	srdreg.scid  }
0xb6: {  	s30 =	sshll.u32 s29, $0xD;
	s31 =	sshrl.u32 s29, $0x2  }
0xb7: {  	s2 =	sand.u32 $0x4000, s30;
	s1 =	sand.u32 $0x1, s29;
	s0 =	sadd.s32 s31, s28  }
0xb8: {  	s1 =	sor.u32 s2, s1;
	s0 =	sshll.u32 s0, $0x11  }
0xb9: {  	s0 =	sor.u32 s0, s1  }
0xba: {  	s0 =	sadd.s32 $0x8F2B, s0  }
0xbb: {  	[sflag:s0] =	ssyncadd.remote.s32 $0x1  }
0xbc: {  	_ =	sfence.sel $0xFFFF  }
0xbd: {  	[dreg:$0x0] =	wrdreg $0xFFFFFFFF;
	(pc) =	sbr.abs _section_cstart, $3  }
0xbe: {  	[dreg:$0x1] =	wrdreg $0xFFFFFFFF  }
0xbf: {  	_ =	task.clear_ibuf [dreg:s5], $0x2FFFF;
	_ =	strace $0x9FFFFFFF  }
0xc0: {  	(tm) =	ssettm $0x7FFFFFFF  }
0xc1: {  	_ =	shalt  }
tec
execute0_lowered:
.L_overlay_start_1:
0x0: {  	(tag) =	ssettag $0x1  }
0x1: {  	s1 =	rddreg [dreg:$0x0]  }
0x2: {  	s2 =	rddreg [dreg:$0x1]  }
0x3: {  	s0 =	rddreg [dreg:$0x2];
	s3 =	stileid.u32  }
0x4: {  	_ =	strace $0x80000047;
	s4 =	simm.s32 $0x3E;
	p0 =	sne.s32 s3, $0x0  }
0x5: {  	[sflag:s4] =	ssyncpa.u1 $0x0;
	s5 =	simm.s32 @!p0 $0x1C3E;
	s6 =	simm.s32 @!p0 $0x0  }
0x6: {  	[spmem:s6], [sflag:s5] =	dma.local @!p0 [hbm:s1], $0x10  }
0x7: {  	s5 =	simm.s32 @!p0 $0x3E  }
0x8: {  	_ =	swait.ge @!p0 [sflag:s5], $0x10  }
0x9: {  	[sflag:s5] =	ssyncset.done @!p0 $0x0  }
0xa: {  	s21 =	simm.s32 $0x1;
	[sflag:s5] =	ssyncadd.s32 @!p0 $0xFFFFFFF0  }
0xb: {  	s7 =	simm.s32 $0x2;
	s8 =	simm.s32 $0x0;
	[bflag:$0x0] =	sbarrier.arrive $0xFFFF  }
0xc: {  	s9 =	simm.s32 $0x48;
	s22 =	sadd.s32 $0x2200, s2;
	[sflag:s4] =	ssyncpa.u1 $0x1  }
0xd: {  	s2 =	sadd.s32 $0x2400, s2;
	s3 =	sshll.u32 s3, $0x3;
	[sflag:s21] =	ssyncpa.u1 $0x0  }
0xe: {  	s5 =	sadd.s32 s22, s3;
	(ifvalue) =	ssetifvalue $0x80;
	[sflag:s7] =	ssyncpa.u1 $0x0  }
0xf: {  	[tilespmem:s9], [sflag:$0x2] =	stream.linear.gather [hbm4b:s5+s8], $0x40, $0x38;
	[tilespmem:$0x108] =	vst v63  }
0x10: {  	s23 =	simm.s32 $0xC8;
	s2 =	sadd.s32 s2, s3  }
0x11: {  	[tilespmem:s23], [sflag:$0x2] =	stream.linear.gather [hbm4b:s2+s8], $0x40, $0x38;
	[tilespmem:$0x108] =	vst v63  }
0x12: {  	_ =	swait.ge [sflag:s7], $0x80  }
0x13: {  	[sflag:s7] =	ssyncset.done $0x0  }
0x14: {  	[sflag:s7] =	ssyncadd.s32 $0xFFFFFF80  }
0x15: {  	v0 =	vld.msk [tilespmem:s9+$0x0 ss:$0x1], $0xffff;
	_ =	sdelay $0x4  }
0x16: {  	v0 =	vmin.u32 v0, $0x80;
	_ =	sdelay $0x3  }
0x17: {  	vm0 =	vmmov $0xffff;
	s24 =	simm.s32 $0x58  }
0x18: {  	[spmem:s8] =	stream.indirect_vreg.scatter.add.s32 [tilespmem:s23], [sflag:$0x1], $0x1, v0, vm0, $0x4038;
	[tilespmem:$0x108] =	vst v63  }
0x19: {  	v0 =	vld.msk [tilespmem:s24+$0x0 ss:$0x1], $0xffff;
	_ =	sdelay $0x4  }
0x1a: {  	v0 =	vmin.u32 v0, $0x80;
	_ =	sdelay $0x3  }
0x1b: {  	s25 =	simm.s32 $0xD8;
	s26 =	simm.s32 $0x68  }
0x1c: {  	[spmem:s8] =	stream.indirect_vreg.scatter.add.s32 [tilespmem:s25], [sflag:$0x1], $0x1, v0, vm0, $0x4038;
	[tilespmem:$0x108] =	vst v63  }
0x1d: {  	v0 =	vld.msk [tilespmem:s26+$0x0 ss:$0x1], $0xffff;
	_ =	sdelay $0x4  }
0x1e: {  	v0 =	vmin.u32 v0, $0x80;
	_ =	sdelay $0x3  }
0x1f: {  	s28 =	simm.s32 $0xE8;
	s29 =	simm.s32 $0x78  }
0x20: {  	[spmem:s8] =	stream.indirect_vreg.scatter.add.s32 [tilespmem:s28], [sflag:$0x1], $0x1, v0, vm0, $0x4038;
	[tilespmem:$0x108] =	vst v63  }
0x21: {  	v0 =	vld.msk [tilespmem:s29+$0x0 ss:$0x1], $0xffff;
	_ =	sdelay $0x4  }
0x22: {  	v0 =	vmin.u32 v0, $0x80;
	_ =	sdelay $0x3  }
0x23: {  	s30 =	simm.s32 $0xF8  }
0x24: {  	[spmem:s8] =	stream.indirect_vreg.scatter.add.s32 [tilespmem:s30], [sflag:$0x1], $0x1, v0, vm0, $0x4038;
	[tilespmem:$0x108] =	vst v63  }
0x25: {  	_ =	swait.ge [sflag:s21], $0x40  }
0x26: {  	[sflag:s21] =	ssyncset.done $0x0  }
0x27: {  	[sflag:s21] =	ssyncadd.s32 $0xFFFFFFC0  }
0x28: {  	_ =	sfence.sel $0x180000  }
0x29: {  	[bflag:$0x0] =	sbarrier.arrive $0xFFFF  }
0x2a: {  	[sflag:s7] =	ssyncpa.u1 $0x1  }
0x2b: {  	[sflag:s21] =	ssyncpa.u1 $0x1  }
0x2c: {  	_ =	sfence.stream.spmem  }
0x2d: {  	s31 =	simm.s32 $0x3D;
	[bflag:$0x0] =	sbarrier.arrive $0xFFFF  }
0x2e: {  	s2 =	simm.s32 @p0 $0x3D;
	[sflag:s31] =	ssyncpa.u1 $0x0  }
0x2f: {  	[sflag:s2] =	ssyncpa.u1 @p0 $0x1  }
0x30: {  	[bflag:$0x0] =	sbarrier.arrive @p0 $0xFFFF  }
0x31: {  	_ =	strace @p0 $0x90000047  }
0x32: {  	s2 =	simm.s32 @!p0 $0x1C3D;
	[bflag:$0x2] =	sbarrier.arrive @p0 $0xFFFF  }
0x33: {  	[hbm:s1], [sflag:s2] =	dma.local @!p0 [spmem:s6], $0x10  }
0x34: {  	s1 =	simm.s32 @!p0 $0x3D  }
0x35: {  	_ =	swait.ge @!p0 [sflag:s1], $0x10  }
0x36: {  	[sflag:s1] =	ssyncset.done @!p0 $0x0  }
0x37: {  	[sflag:s1] =	ssyncadd.s32 @!p0 $0xFFFFFFF0  }
0x38: {  	[sflag:s1] =	ssyncpa.u1 @!p0 $0x1  }
0x39: {  	[bflag:$0x0] =	sbarrier.arrive @!p0 $0xFFFF  }
0x3a: {  	_ =	strace @!p0 $0x90000047  }
0x3b: {  	s0 =	sadd.s32 @!p0 $0x100000, s0;
	[bflag:$0x2] =	sbarrier.arrive @!p0 $0xFFFF  }
0x3c: {  	[sflag:s0] =	ssyncadd.tile.s32 @!p0 $0x1;
	_ =	shalt  }
.Lfunc_end2:
_tile_overlayer_lowered:
.L_overlay_start_2:
0x3d: {  	(tag) =	ssettag $0x2  }
0x3e: {  	s0 =	rddreg [dreg:$0x0];
	s2 =	stileid.u32  }
0x3f: {  	s1 =	rddreg [dreg:$0x1];
	p0 =	sne.s32 s2, $0x0  }
0x40: {  	s3 =	rddreg [dreg:$0x2];
	[bflag:$0x3] =	sbarrier.arrive $0xFFFF;
	s2 =	simm.s32 @!p0 $0x1C01  }
0x41: {  	[timem:s3], [sflag:s2] =	dma.local @!p0 [hbm:s0], s1  }
0x42: {  	s0 =	simm.s32 @!p0 $0x1  }
0x43: {  	_ =	swait.ge @!p0 [sflag:s0], s1  }
0x44: {  	s1 =	ssub.s32 @!p0 $0x0, s1;
	[sflag:s0] =	ssyncset.done @!p0 $0x0  }
0x45: {  	[sflag:s0] =	ssyncadd.s32 @!p0 s1  }
0x46: {  	[bflag:$0x3] =	sbarrier.arrive $0xFFFF  }
0x47: {  	_ =	shalt  }

</sc_bundles>
